<compile_context>
chip_gen: v7x
topology: tpu7x:2x2x1
jax: 0.10.2.dev20260603
libtpu: 0.0.44.dev20260713+nightly
codegen_flags: <defaults>
</compile_context>

<pallas_src>
import functools
import jax
import jax.numpy as jnp
from jax import lax
from jax.experimental import pallas as pl
from jax.experimental.pallas import tpu as pltpu
from jax.experimental.pallas import tpu_sc as plsc

N = 10000
E = 160000
D = 256
H = 256
B = 16
NEG_SLOPE = 0.01

NP = 10240
NT = 16
CHUNK = 125
NCHUNK = (E // NT) // CHUNK
ROWS_PER_TILE = NP // NT

_sc_mesh = plsc.VectorSubcoreMesh(core_axis_name="c", subcore_axis_name="s")


@jax.jit
def _sc_degrees(ei4):
  @functools.partial(
      pl.kernel,
      out_type=jax.ShapeDtypeStruct((2, NP), jnp.float32),
      mesh=_sc_mesh,
      scratch_types=[
          pltpu.VMEM((NCHUNK, CHUNK), jnp.int32),
          pltpu.VMEM((128,), jnp.float32),
          pltpu.VMEM((ROWS_PER_TILE,), jnp.float32),
          pltpu.VMEM_SHARED((NP,), jnp.float32),
          pltpu.SemaphoreType.DMA,
      ],
  )
  def k(ei_hbm, deg_hbm, idx_v, ones_v, zbuf, hist_sh, sem):
    c = lax.axis_index("c")
    s = lax.axis_index("s")

    @pl.loop(0, 128, step=16)
    def _(i):
      ones_v[pl.ds(i, 16)] = jnp.full((16,), 1.0, jnp.float32)

    @pl.loop(0, ROWS_PER_TILE, step=16)
    def _(i):
      zbuf[pl.ds(i, 16)] = jnp.zeros((16,), jnp.float32)

    pltpu.sync_copy(zbuf, hist_sh.at[pl.ds(s * ROWS_PER_TILE, ROWS_PER_TILE)])
    pltpu.sync_copy(ei_hbm.at[c, s], idx_v)
    plsc.subcore_barrier()

    @pl.loop(0, NCHUNK)
    def _(j):
      pltpu.sync_copy(ones_v.at[pl.ds(0, CHUNK)], hist_sh.at[idx_v.at[j]],
                      add=True)

    plsc.subcore_barrier()
    pltpu.sync_copy(hist_sh.at[pl.ds(s * ROWS_PER_TILE, ROWS_PER_TILE)],
                    deg_hbm.at[c, pl.ds(s * ROWS_PER_TILE, ROWS_PER_TILE)])

  return k(ei4)


@jax.jit
def _sc_scatter(h, src3, dst3):
  @functools.partial(
      pl.kernel,
      out_type=jax.ShapeDtypeStruct((4, NP, 64), jnp.float32),
      mesh=_sc_mesh,
      scratch_types=[
          pltpu.VMEM((NCHUNK, CHUNK), jnp.int32),
          pltpu.VMEM((NCHUNK, CHUNK), jnp.int32),
          pltpu.VMEM((CHUNK, 64), jnp.float32),
          pltpu.VMEM((CHUNK, 64), jnp.float32),
          pltpu.VMEM((CHUNK, 64), jnp.float32),
          pltpu.VMEM((CHUNK, 64), jnp.float32),
          pltpu.VMEM((128, 64), jnp.float32),
          pltpu.VMEM_SHARED((NP, 64), jnp.float32),
          pltpu.SemaphoreType.DMA,
          pltpu.SemaphoreType.DMA,
          pltpu.SemaphoreType.DMA,
          pltpu.SemaphoreType.DMA,
          pltpu.SemaphoreType.DMA,
          pltpu.SemaphoreType.DMA,
          pltpu.SemaphoreType.DMA,
          pltpu.SemaphoreType.DMA,
      ],
      compiler_params=pltpu.CompilerParams(use_tc_tiling_on_sc=False),
  )
  def k(h_hbm, src_hbm, dst_hbm, agg_hbm,
        src_v, dst_v, buf0, buf1, buf2, buf3, zbuf, agg_sh,
        g0, g1, g2, g3, s0, s1, s2, s3):
    c = lax.axis_index("c")
    s = lax.axis_index("s")
    bufs = (buf0, buf1, buf2, buf3)
    gsems = (g0, g1, g2, g3)
    ssems = (s0, s1, s2, s3)

    @pl.loop(0, 128)
    def _(r):
      @pl.loop(0, 64, step=16)
      def _(k2):
        zbuf[r, pl.ds(k2, 16)] = jnp.zeros((16,), jnp.float32)

    pltpu.sync_copy(src_hbm.at[s], src_v)
    pltpu.sync_copy(dst_hbm.at[s], dst_v)

    for p in range(2):
      slab = c * 2 + p

      def g_start(ch, t):
        pltpu.async_copy(h_hbm.at[slab].at[src_v.at[ch]], bufs[t], gsems[t])

      def g_wait(ch, t):
        pltpu.make_async_copy(
            h_hbm.at[slab].at[src_v.at[ch]], bufs[t], gsems[t]).wait()

      def s_start(ch, t):
        pltpu.async_copy(bufs[t], agg_sh.at[dst_v.at[ch]], ssems[t], add=True)

      def s_wait(ch, t):
        pltpu.make_async_copy(
            bufs[t], agg_sh.at[dst_v.at[ch]], ssems[t]).wait()

      @pl.loop(0, ROWS_PER_TILE // 128)
      def _(b):
        pltpu.sync_copy(
            zbuf, agg_sh.at[pl.ds(s * ROWS_PER_TILE + b * 128, 128)])

      for t in range(3):
        g_start(t, t)

      plsc.subcore_barrier()

      @pl.loop(0, NCHUNK, step=4)
      def _(j):
        for t in range(4):
          ch = j + t
          g_wait(ch, t)
          s_start(ch, t)
          nt = (t + 3) % 4

          @pl.when(ch >= 1)
          def _():
            s_wait(ch - 1, nt)

          @pl.when(ch + 3 < NCHUNK)
          def _():
            g_start(ch + 3, nt)

      s_wait(NCHUNK - 1, (NCHUNK - 1) % 4)
      plsc.subcore_barrier()
      pltpu.sync_copy(agg_sh.at[pl.ds(s * ROWS_PER_TILE, ROWS_PER_TILE)],
                      agg_hbm.at[slab, pl.ds(s * ROWS_PER_TILE, ROWS_PER_TILE)])

  return k(h, src3, dst3)


BM = 1000
GRID = N // BM


def _slab_store(h_ref, h):
  for p in range(4):
    h_ref[p] = h[:, p * 64:(p + 1) * 64]


def _slab_concat(agg_ref):
  return jnp.concatenate([agg_ref[p] for p in range(4)], axis=1)


def _mm0_body(x_ref, od_ref, w_ref, h_ref):
  sc = lax.rsqrt(jnp.maximum(od_ref[...], 1.0))
  h = jnp.dot(x_ref[...] * sc, w_ref[...], preferred_element_type=jnp.float32)
  _slab_store(h_ref, h)


@jax.jit
def _tc_mm0(x, odeg, w0):
  return pl.pallas_call(
      _mm0_body,
      grid=(GRID,),
      in_specs=[
          pl.BlockSpec((BM, D), lambda i: (i, 0)),
          pl.BlockSpec((BM, 1), lambda i: (i, 0)),
          pl.BlockSpec((D, H), lambda i: (0, 0)),
      ],
      out_specs=pl.BlockSpec((4, BM, 64), lambda i: (0, i, 0)),
      out_shape=jax.ShapeDtypeStruct((4, N, 64), jnp.float32),
  )(x, odeg, w0)


def _pool_update(i, f, gid, rsum_ref, rmax_ref):
  onehot = (gid == lax.broadcasted_iota(jnp.int32, (1, B), 1)
            ).astype(jnp.float32)
  psum = lax.dot_general(onehot, f, (((0,), (0,)), ((), ())),
                         preferred_element_type=jnp.float32)

  @pl.when(i == 0)
  def _():
    rsum_ref[...] = psum
    rmax_ref[...] = jnp.full((B, H), -jnp.inf, jnp.float32)

  @pl.when(i > 0)
  def _():
    rsum_ref[...] += psum

  g_lo = gid[0, 0]
  g_hi = gid[BM - 1, 0]
  rows = lax.broadcasted_iota(jnp.int32, (B, 1), 0)

  def gbody(g, carry):
    m = jnp.max(jnp.where(gid == g, f, -jnp.inf), axis=0, keepdims=True)
    rmax_ref[...] = jnp.maximum(
        rmax_ref[...], jnp.where(rows == g, m, -jnp.inf))
    return carry

  lax.fori_loop(g_lo, g_hi + 1, gbody, 0)


def _tail_body(agg_ref, id_ref, od_ref, b_ref, gid_ref, wn_ref, prev_ref,
               hn_ref, merged_ref, rsum_ref, rmax_ref):
  i = pl.program_id(0)
  agg = _slab_concat(agg_ref)
  si = lax.rsqrt(jnp.maximum(id_ref[...], 1.0))
  f = agg * si + b_ref[...]
  f = jnp.where(f >= 0, f, NEG_SLOPE * f)
  _pool_update(i, f, gid_ref[...], rsum_ref, rmax_ref)

  so = lax.rsqrt(jnp.maximum(od_ref[...], 1.0))
  hn = jnp.dot(f * so, wn_ref[...], preferred_element_type=jnp.float32)
  _slab_store(hn_ref, hn)

  @pl.when(i == GRID - 1)
  def _():
    merged_ref[...] = prev_ref[...] + jnp.concatenate(
        [rsum_ref[...], rmax_ref[...]], axis=1)


@jax.jit
def _tc_tail(agg, ideg, odeg, bias, gid, wn, prev):
  return pl.pallas_call(
      _tail_body,
      grid=(GRID,),
      in_specs=[
          pl.BlockSpec((4, BM, 64), lambda i: (0, i, 0)),
          pl.BlockSpec((BM, 1), lambda i: (i, 0)),
          pl.BlockSpec((BM, 1), lambda i: (i, 0)),
          pl.BlockSpec((1, H), lambda i: (0, 0)),
          pl.BlockSpec((BM, 1), lambda i: (i, 0)),
          pl.BlockSpec((H, H), lambda i: (0, 0)),
          pl.BlockSpec((B, 2 * H), lambda i: (0, 0)),
      ],
      out_specs=[
          pl.BlockSpec((4, BM, 64), lambda i: (0, i, 0)),
          pl.BlockSpec((B, 2 * H), lambda i: (0, 0)),
      ],
      out_shape=[
          jax.ShapeDtypeStruct((4, N, 64), jnp.float32),
          jax.ShapeDtypeStruct((B, 2 * H), jnp.float32),
      ],
      scratch_shapes=[
          pltpu.VMEM((B, H), jnp.float32),
          pltpu.VMEM((B, H), jnp.float32),
      ],
  )(agg, ideg, odeg, bias, gid, wn, prev)


def _tail2_body(agg_ref, id_ref, b_ref, gid_ref, prev_ref,
                wd1_ref, bd1_ref, wd2_ref, bd2_ref,
                out_ref, rsum_ref, rmax_ref):
  i = pl.program_id(0)
  agg = _slab_concat(agg_ref)
  si = lax.rsqrt(jnp.maximum(id_ref[...], 1.0))
  f = agg * si + b_ref[...]
  f = jnp.where(f >= 0, f, NEG_SLOPE * f)
  _pool_update(i, f, gid_ref[...], rsum_ref, rmax_ref)

  @pl.when(i == GRID - 1)
  def _():
    merged = prev_ref[...] + jnp.concatenate(
        [rsum_ref[...], rmax_ref[...]], axis=1)
    d1 = jnp.dot(merged, wd1_ref[...],
                 preferred_element_type=jnp.float32) + bd1_ref[...]
    d2 = jnp.dot(d1, wd2_ref[...],
                 preferred_element_type=jnp.float32) + bd2_ref[...]
    out_ref[...] = jax.nn.sigmoid(d2)


@jax.jit
def _tc_tail2(agg, ideg, bias, gid, prev, wd1, bd1, wd2p, bd2p):
  return pl.pallas_call(
      _tail2_body,
      grid=(GRID,),
      in_specs=[
          pl.BlockSpec((4, BM, 64), lambda i: (0, i, 0)),
          pl.BlockSpec((BM, 1), lambda i: (i, 0)),
          pl.BlockSpec((1, H), lambda i: (0, 0)),
          pl.BlockSpec((BM, 1), lambda i: (i, 0)),
          pl.BlockSpec((B, 2 * H), lambda i: (0, 0)),
          pl.BlockSpec((2 * H, 128), lambda i: (0, 0)),
          pl.BlockSpec((1, 128), lambda i: (0, 0)),
          pl.BlockSpec((128, 128), lambda i: (0, 0)),
          pl.BlockSpec((1, 128), lambda i: (0, 0)),
      ],
      out_specs=pl.BlockSpec((B, 128), lambda i: (0, 0)),
      out_shape=jax.ShapeDtypeStruct((B, 128), jnp.float32),
      scratch_shapes=[
          pltpu.VMEM((B, H), jnp.float32),
          pltpu.VMEM((B, H), jnp.float32),
      ],
  )(agg, ideg, bias, gid, prev, wd1, bd1, wd2p, bd2p)


def kernel(x, edge_index, graph_ids, W0, b0, W1, b1, W2, b2, Wd1, bd1,
           Wd2, bd2):
  ei4 = edge_index.reshape(2, NT, NCHUNK, CHUNK)
  src3 = ei4[0]
  dst3 = ei4[1]

  degs = _sc_degrees(ei4)
  odeg = degs[0, :N, None]
  ideg = degs[1, :N, None]
  gid = graph_ids[:, None]

  wd2p = jnp.zeros((128, 128), jnp.float32).at[:, :2].set(Wd2)
  bd2p = jnp.zeros((1, 128), jnp.float32).at[0, :2].set(bd2)
  bd1r = bd1[None, :]

  h = _tc_mm0(x, odeg, W0)
  agg = _sc_scatter(h, src3, dst3)
  m = jnp.zeros((B, 2 * H), jnp.float32)
  h, m = _tc_tail(agg, ideg, odeg, b0[None, :], gid, W1, m)
  agg = _sc_scatter(h, src3, dst3)
  h, m = _tc_tail(agg, ideg, odeg, b1[None, :], gid, W2, m)
  agg = _sc_scatter(h, src3, dst3)
  outp = _tc_tail2(agg, ideg, b2[None, :], gid, m, Wd1, bd1r, wd2p, bd2p)
  return outp[:, :2]

# --- scband reference (transcript-rebuilt; emitter-appended) ---
"""Pipeline reference for scband-gcnclassifier-8280696947385 (READ-ONLY COPY).

The authoritative reference and input builder live on the scoring server;
editing this copy changes nothing except your own understanding.
"""

import jax, jax.numpy as jnp
import numpy as np

N = 10000
E = 160000
D = 256
H = 256
B = 16
NEG_SLOPE = 0.01


def setup_inputs(seed: int = 0) -> dict:
    key = jax.random.key(seed)
    ks = jax.random.split(key, 12)
    x = jax.random.normal(ks[0], (N, D), dtype=jnp.float32)
    edge_index = jax.random.randint(ks[1], (2, E), 0, N, dtype=jnp.int32)
    graph_ids = jnp.sort(jax.random.randint(ks[2], (N,), 0, B, dtype=jnp.int32))
    W0 = jax.random.normal(ks[3], (D, H), dtype=jnp.float32) * 0.05
    b0 = jnp.zeros((H,), dtype=jnp.float32)
    W1 = jax.random.normal(ks[4], (H, H), dtype=jnp.float32) * 0.05
    b1 = jnp.zeros((H,), dtype=jnp.float32)
    W2 = jax.random.normal(ks[5], (H, H), dtype=jnp.float32) * 0.05
    b2 = jnp.zeros((H,), dtype=jnp.float32)
    Wd1 = jax.random.normal(ks[6], (2 * H, 128), dtype=jnp.float32) * 0.05
    bd1 = jnp.zeros((128,), dtype=jnp.float32)
    Wd2 = jax.random.normal(ks[7], (128, 2), dtype=jnp.float32) * 0.05
    bd2 = jnp.zeros((2,), dtype=jnp.float32)
    return {"x": x, "edge_index": edge_index, "graph_ids": graph_ids,
            "W0": W0, "b0": b0, "W1": W1, "b1": b1, "W2": W2, "b2": b2,
            "Wd1": Wd1, "bd1": bd1, "Wd2": Wd2, "bd2": bd2}


def _gcn_layer(feat, edge_index, W, b):
    # DGL GraphConv with norm='both': D_out^{-1/2} A^T D_in^{-1/2} applied
    n = feat.shape[0]
    src = edge_index[0]
    dst = edge_index[1]
    out_deg = jnp.maximum(jnp.bincount(src, length=n).astype(jnp.float32), 1.0)
    in_deg = jnp.maximum(jnp.bincount(dst, length=n).astype(jnp.float32), 1.0)
    h = feat * (out_deg ** -0.5)[:, None]
    h = h @ W  # mult W first (in_feats >= out_feats path in DGL)
    agg = jnp.zeros((n, W.shape[1]), dtype=feat.dtype).at[dst].add(h[src])
    agg = agg * (in_deg ** -0.5)[:, None]
    agg = agg + b
    return jax.nn.leaky_relu(agg, NEG_SLOPE)


def _sum_max_pool(feat, graph_ids, n_graphs):
    s = jax.ops.segment_sum(feat, graph_ids, num_segments=n_graphs, indices_are_sorted=True)
    m = jax.ops.segment_max(feat, graph_ids, num_segments=n_graphs, indices_are_sorted=True)
    return jnp.concatenate([s, m], axis=-1)


def reference(x, edge_index, graph_ids, W0, b0, W1, b1, W2, b2, Wd1, bd1, Wd2, bd2):
    feat = x.astype(jnp.float32)
    readouts = []
    for (W, b) in ((W0, b0), (W1, b1), (W2, b2)):
        feat = _gcn_layer(feat, edge_index, W, b)
        readouts.append(_sum_max_pool(feat, graph_ids, B))
    merged = jnp.sum(jnp.stack(readouts), axis=0)  # pooling_type 'h'
    merged = merged.reshape(-1, merged.shape[-1])
    # dropout layers act as identity in eval/reference mode
    dense1 = merged @ Wd1 + bd1
    dense2 = dense1 @ Wd2 + bd2
    out = jax.nn.sigmoid(dense2)
    return out

if __name__ == "__main__":
    import jax
    _d = setup_inputs()
    print(jax.jit(kernel)(*tuple(_d.values())))

</pallas_src>

<mosaic_0001>
#map = affine_map<(d0, d1) -> (0, 0, 0, 0)>
#map1 = affine_map<(d0, d1) -> (0, 0)>
module attributes {stable_mosaic.version = 14 : i64} {
  func.func @k(%arg0: i32, %arg1: i32, %arg2: memref<2x16x80x125xi32, #tpu.memory_space<hbm>>, %arg3: memref<2x10240xf32, #tpu.memory_space<hbm>>, %arg4: memref<80x125xi32, #tpu.memory_space<vmem>>, %arg5: memref<128xf32, #tpu.memory_space<vmem>>, %arg6: memref<640xf32, #tpu.memory_space<vmem>>, %arg7: memref<10240xf32, #tpu.memory_space<vmem_shared>>, %arg8: memref<!tpu.dma_semaphore, #tpu.memory_space<semaphore_mem>>) attributes {dimension_semantics = [#tpu.dimension_semantics<core_parallel>, #tpu.dimension_semantics<subcore_parallel>], iteration_bounds = array<i64: 2, 16>, scalar_prefetch = 0 : i64, scratch_operands = 5 : i64, tpu.core_type = #tpu.core_type<sc_vector_subcore>, window_params = [{transform_indices = #map}, {transform_indices = #map1}]} {
    %scan3A = arith.constant 0 : i32
    %scan3A_0 = arith.constant 8 : i32
    %scan3A_1 = arith.addi %scan3A, %scan3A_0 : i32
    %scan3A_2 = arith.constant 1 : i32
    scf.for %scan3A_20 = %scan3A to %scan3A_1 step %scan3A_2  : i32 {
      %mul3A_21 = arith.constant 16 : i32
      %mul3A_22 = arith.muli %scan3A_20, %mul3A_21 : i32
      %add3A = arith.constant 0 : i32
      %add3A_23 = arith.addi %add3A, %mul3A_22 : i32
      %broadcast_in_dim3A = arith.constant 1.000000e+00 : f32
      %broadcast_in_dim3A_24 = vector.broadcast %broadcast_in_dim3A : f32 to vector<16xf32>
      %swap3A = arith.index_cast %add3A_23 : i32 to index
      %swap3A_25 = tpu.vector_load %arg5[%swap3A] {strides = array<i32>} : memref<128xf32, #tpu.memory_space<vmem>>, vector<16xf32>,
      %swap3A_26 = vector.shape_cast %swap3A_25 : vector<16xf32> to vector<16xf32>
      %swap3A_27 = vector.shape_cast %broadcast_in_dim3A_24 : vector<16xf32> to vector<16xf32>
      tpu.vector_store %arg5[%swap3A], %swap3A_27 {strides = array<i32>} : memref<128xf32, #tpu.memory_space<vmem>>, vector<16xf32>,
    }
    %scan3A_3 = arith.constant 8 : i32
    %scan3A_4 = arith.constant 0 : i32
    %scan3A_5 = arith.constant 40 : i32
    %scan3A_6 = arith.addi %scan3A_4, %scan3A_5 : i32
    %scan3A_7 = arith.constant 1 : i32
    scf.for %scan3A_20 = %scan3A_4 to %scan3A_6 step %scan3A_7  : i32 {
      %mul3A_21 = arith.constant 16 : i32
      %mul3A_22 = arith.muli %scan3A_20, %mul3A_21 : i32
      %add3A = arith.constant 0 : i32
      %add3A_23 = arith.addi %add3A, %mul3A_22 : i32
      %broadcast_in_dim3A = arith.constant 0.000000e+00 : f32
      %broadcast_in_dim3A_24 = vector.broadcast %broadcast_in_dim3A : f32 to vector<16xf32>
      %swap3A = arith.index_cast %add3A_23 : i32 to index
      %swap3A_25 = tpu.vector_load %arg6[%swap3A] {strides = array<i32>} : memref<640xf32, #tpu.memory_space<vmem>>, vector<16xf32>,
      %swap3A_26 = vector.shape_cast %swap3A_25 : vector<16xf32> to vector<16xf32>
      %swap3A_27 = vector.shape_cast %broadcast_in_dim3A_24 : vector<16xf32> to vector<16xf32>
      tpu.vector_store %arg6[%swap3A], %swap3A_27 {strides = array<i32>} : memref<640xf32, #tpu.memory_space<vmem>>, vector<16xf32>,
    }
    %scan3A_8 = arith.constant 40 : i32
    %mul3A = arith.constant 640 : i32
    %mul3A_9 = arith.muli %arg1, %mul3A : i32
    "tpu.region"() ({
      %run_scoped3A = tpu.sem_alloc : memref<!tpu.dma_semaphore, #tpu.memory_space<semaphore_mem>>
      %dma_start3A = tpu.memref_slice %arg7[%mul3A_9] : memref<10240xf32, #tpu.memory_space<vmem_shared>> -> memref<640xf32, #tpu.memory_space<vmem_shared>>
      %dma_start3A_20 = tpu.memref_slice %arg7[%mul3A_9] : memref<10240xf32, #tpu.memory_space<vmem_shared>> -> memref<640xf32, #tpu.memory_space<vmem_shared>>
      tpu.enqueue_dma source(%arg6 : memref<640xf32, #tpu.memory_space<vmem>>) target(%dma_start3A_20 : memref<640xf32, #tpu.memory_space<vmem_shared>>) target_semaphore(%run_scoped3A : memref<!tpu.dma_semaphore, #tpu.memory_space<semaphore_mem>>)
      %dma_wait3A = tpu.memref_slice %arg7[%mul3A_9] : memref<10240xf32, #tpu.memory_space<vmem_shared>> -> memref<640xf32, #tpu.memory_space<vmem_shared>>
      %dma_wait3A_21 = tpu.memref_slice %arg7[%mul3A_9] : memref<10240xf32, #tpu.memory_space<vmem_shared>> -> memref<640xf32, #tpu.memory_space<vmem_shared>>
      tpu.wait_dma2 semaphore(%run_scoped3A : memref<!tpu.dma_semaphore, #tpu.memory_space<semaphore_mem>>) src(%arg6 : memref<640xf32, #tpu.memory_space<vmem>>) dst(%dma_wait3A_21 : memref<640xf32, #tpu.memory_space<vmem_shared>>)
      tpu.yield
    }) : () -> ()
    "tpu.region"() ({
      %run_scoped3A = tpu.sem_alloc : memref<!tpu.dma_semaphore, #tpu.memory_space<semaphore_mem>>
      %dma_start3A = arith.constant 0 : i32
      %dma_start3A_20 = arith.constant 0 : i32
      %dma_start3A_21 = tpu.memref_slice %arg2[%arg0, %arg1, %dma_start3A, %dma_start3A_20] : memref<2x16x80x125xi32, #tpu.memory_space<hbm>> -> memref<1x1x80x125xi32, #tpu.memory_space<hbm>>
      %dma_start3A_22 = tpu.memref_squeeze %dma_start3A_21 : memref<1x1x80x125xi32, #tpu.memory_space<hbm>> -> memref<80x125xi32, #tpu.memory_space<hbm>>
      %dma_start3A_23 = arith.constant 0 : i32
      %dma_start3A_24 = arith.constant 0 : i32
      %dma_start3A_25 = tpu.memref_slice %arg2[%arg0, %arg1, %dma_start3A_23, %dma_start3A_24] : memref<2x16x80x125xi32, #tpu.memory_space<hbm>> -> memref<1x1x80x125xi32, #tpu.memory_space<hbm>>
      %dma_start3A_26 = tpu.memref_squeeze %dma_start3A_25 : memref<1x1x80x125xi32, #tpu.memory_space<hbm>> -> memref<80x125xi32, #tpu.memory_space<hbm>>
      tpu.enqueue_dma source(%dma_start3A_26 : memref<80x125xi32, #tpu.memory_space<hbm>>) target(%arg4 : memref<80x125xi32, #tpu.memory_space<vmem>>) target_semaphore(%run_scoped3A : memref<!tpu.dma_semaphore, #tpu.memory_space<semaphore_mem>>)
      %dma_wait3A = arith.constant 0 : i32
      %dma_wait3A_27 = arith.constant 0 : i32
      %dma_wait3A_28 = tpu.memref_slice %arg2[%arg0, %arg1, %dma_wait3A, %dma_wait3A_27] : memref<2x16x80x125xi32, #tpu.memory_space<hbm>> -> memref<1x1x80x125xi32, #tpu.memory_space<hbm>>
      %dma_wait3A_29 = tpu.memref_squeeze %dma_wait3A_28 : memref<1x1x80x125xi32, #tpu.memory_space<hbm>> -> memref<80x125xi32, #tpu.memory_space<hbm>>
      %dma_wait3A_30 = arith.constant 0 : i32
      %dma_wait3A_31 = arith.constant 0 : i32
      %dma_wait3A_32 = tpu.memref_slice %arg2[%arg0, %arg1, %dma_wait3A_30, %dma_wait3A_31] : memref<2x16x80x125xi32, #tpu.memory_space<hbm>> -> memref<1x1x80x125xi32, #tpu.memory_space<hbm>>
      %dma_wait3A_33 = tpu.memref_squeeze %dma_wait3A_32 : memref<1x1x80x125xi32, #tpu.memory_space<hbm>> -> memref<80x125xi32, #tpu.memory_space<hbm>>
      tpu.wait_dma2 semaphore(%run_scoped3A : memref<!tpu.dma_semaphore, #tpu.memory_space<semaphore_mem>>) src(%dma_wait3A_33 : memref<80x125xi32, #tpu.memory_space<hbm>>) dst(%arg4 : memref<80x125xi32, #tpu.memory_space<vmem>>)
      tpu.yield
    }) : () -> ()
    %barrier3A = arith.constant 0 : index
    tpu.barrier barrier_id(%barrier3A)
    %scan3A_10 = arith.constant 0 : i32
    %scan3A_11 = arith.constant 80 : i32
    %scan3A_12 = arith.addi %scan3A_10, %scan3A_11 : i32
    %scan3A_13 = arith.constant 1 : i32
    scf.for %scan3A_20 = %scan3A_10 to %scan3A_12 step %scan3A_13  : i32 {
      %mul3A_21 = arith.constant 1 : i32
      %mul3A_22 = arith.muli %scan3A_20, %mul3A_21 : i32
      %add3A = arith.constant 0 : i32
      %add3A_23 = arith.addi %add3A, %mul3A_22 : i32
      "tpu.region"() ({
        %run_scoped3A = tpu.sem_alloc : memref<!tpu.dma_semaphore, #tpu.memory_space<semaphore_mem>>
        %dma_start3A = arith.constant 0 : i32
        %dma_start3A_24 = tpu.memref_slice %arg5[%dma_start3A] : memref<128xf32, #tpu.memory_space<vmem>> -> memref<125xf32, #tpu.memory_space<vmem>>
        %dma_start3A_25 = arith.constant 0 : i32
        %dma_start3A_26 = tpu.memref_slice %arg4[%add3A_23, %dma_start3A_25] : memref<80x125xi32, #tpu.memory_space<vmem>> -> memref<1x125xi32, #tpu.memory_space<vmem>>
        %dma_start3A_27 = tpu.memref_squeeze %dma_start3A_26 : memref<1x125xi32, #tpu.memory_space<vmem>> -> memref<125xi32, #tpu.memory_space<vmem>>
        %dma_start3A_28 = arith.constant 0 : i32
        %dma_start3A_29 = tpu.memref_slice %arg7[%dma_start3A_28] : memref<10240xf32, #tpu.memory_space<vmem_shared>> -> memref<10240xf32, #tpu.memory_space<vmem_shared>>
        tpu.enqueue_indirect_dma source(%dma_start3A_24 : memref<125xf32, #tpu.memory_space<vmem>>) target(%dma_start3A_29 : memref<10240xf32, #tpu.memory_space<vmem_shared>>) offsets(%dma_start3A_27 : memref<125xi32, #tpu.memory_space<vmem>>) semaphore(%run_scoped3A : memref<!tpu.dma_semaphore, #tpu.memory_space<semaphore_mem>>) {add = true}
        %dma_wait3A = arith.constant 0 : i32
        %dma_wait3A_30 = tpu.memref_slice %arg5[%dma_wait3A] : memref<128xf32, #tpu.memory_space<vmem>> -> memref<125xf32, #tpu.memory_space<vmem>>
        %dma_wait3A_31 = arith.constant 0 : i32
        %dma_wait3A_32 = tpu.memref_slice %arg4[%add3A_23, %dma_wait3A_31] : memref<80x125xi32, #tpu.memory_space<vmem>> -> memref<1x125xi32, #tpu.memory_space<vmem>>
        %dma_wait3A_33 = tpu.memref_squeeze %dma_wait3A_32 : memref<1x125xi32, #tpu.memory_space<vmem>> -> memref<125xi32, #tpu.memory_space<vmem>>
        %dma_wait3A_34 = arith.constant 0 : i32
        %dma_wait3A_35 = tpu.memref_slice %arg7[%dma_wait3A_34] : memref<10240xf32, #tpu.memory_space<vmem_shared>> -> memref<10240xf32, #tpu.memory_space<vmem_shared>>
        tpu.wait_indirect_dma semaphore(%run_scoped3A : memref<!tpu.dma_semaphore, #tpu.memory_space<semaphore_mem>>) src(%dma_wait3A_30 : memref<125xf32, #tpu.memory_space<vmem>>) dst(%dma_wait3A_35 : memref<10240xf32, #tpu.memory_space<vmem_shared>>)
        tpu.yield
      }) : () -> ()
    }
    %scan3A_14 = arith.constant 80 : i32
    %barrier3A_15 = arith.constant 0 : index
    tpu.barrier barrier_id(%barrier3A_15)
    %mul3A_16 = arith.constant 640 : i32
    %mul3A_17 = arith.muli %arg1, %mul3A_16 : i32
    %mul3A_18 = arith.constant 640 : i32
    %mul3A_19 = arith.muli %arg1, %mul3A_18 : i32
    "tpu.region"() ({
      %run_scoped3A = tpu.sem_alloc : memref<!tpu.dma_semaphore, #tpu.memory_space<semaphore_mem>>
      %dma_start3A = tpu.memref_slice %arg3[%arg0, %mul3A_19] : memref<2x10240xf32, #tpu.memory_space<hbm>> -> memref<1x640xf32, #tpu.memory_space<hbm>>
      %dma_start3A_20 = tpu.memref_squeeze %dma_start3A : memref<1x640xf32, #tpu.memory_space<hbm>> -> memref<640xf32, #tpu.memory_space<hbm>>
      %dma_start3A_21 = tpu.memref_slice %arg7[%mul3A_17] : memref<10240xf32, #tpu.memory_space<vmem_shared>> -> memref<640xf32, #tpu.memory_space<vmem_shared>>
      tpu.enqueue_dma source(%dma_start3A_21 : memref<640xf32, #tpu.memory_space<vmem_shared>>) target(%dma_start3A_20 : memref<640xf32, #tpu.memory_space<hbm>>) target_semaphore(%run_scoped3A : memref<!tpu.dma_semaphore, #tpu.memory_space<semaphore_mem>>)
      %dma_wait3A = tpu.memref_slice %arg3[%arg0, %mul3A_19] : memref<2x10240xf32, #tpu.memory_space<hbm>> -> memref<1x640xf32, #tpu.memory_space<hbm>>
      %dma_wait3A_22 = tpu.memref_squeeze %dma_wait3A : memref<1x640xf32, #tpu.memory_space<hbm>> -> memref<640xf32, #tpu.memory_space<hbm>>
      %dma_wait3A_23 = tpu.memref_slice %arg7[%mul3A_17] : memref<10240xf32, #tpu.memory_space<vmem_shared>> -> memref<640xf32, #tpu.memory_space<vmem_shared>>
      tpu.wait_dma2 semaphore(%run_scoped3A : memref<!tpu.dma_semaphore, #tpu.memory_space<semaphore_mem>>) src(%dma_wait3A_23 : memref<640xf32, #tpu.memory_space<vmem_shared>>) dst(%dma_wait3A_22 : memref<640xf32, #tpu.memory_space<hbm>>)
      tpu.yield
    }) : () -> ()
    return
  }
}

</mosaic_0001>

<sc_bundles>
// kernel: _sc_degrees.3.cloned.1.call-start
scs
__scs_entry_jumppad:
0x0: {  	(pc) =	sbr.rel $0x88, $3  }
0x1: {  	(tag) =	ssettag $0x0;
	lr =	simm.s32 $0x1  }
0x2: {  	[smem:$0x3FA0] =	sst lr;
	_ =	strace $0xD0000000  }
0x3: {  	_ = 	snop  }
0x4: {  	_ = 	snop  }
0x5: {  	_ = 	snop  }
0x6: {  	_ = 	snop  }
0x7: {  	_ = 	snop  }
__scs_overlays_trampoline_lowered:
0x8: {  	[smem:$0x3FAF] =	sst s0  }
0x9: {  	[smem:$0x3FB0] =	sst s1  }
0xa: {  	[smem:$0x3FB1] =	sst s2  }
0xb: {  	[smem:$0x3FB2] =	sst s3  }
0xc: {  	[smem:$0x3FB3] =	sst s4  }
0xd: {  	[smem:$0x3FB4] =	sst s5  }
0xe: {  	[smem:$0x3FB5] =	sst s6  }
0xf: {  	[smem:$0x3FB6] =	sst s7  }
0x10: {  	[smem:$0x3FB7] =	sst s8  }
0x11: {  	[smem:$0x3FB8] =	sst s9;
	s0 =	simm.s32 @!p0 $0x0  }
0x12: {  	s1 =	sld [smem:$0x3F9E];
	s0 =	simm.s32 @p0 $0x1  }
0x13: {  	[smem:$0x3FB9] =	sst s0;
	s0 =	simm.s32 @!p1 $0x0  }
0x14: {  	s2 =	sld [smem:$0x3F9D];
	s0 =	simm.s32 @p1 $0x1  }
0x15: {  	[smem:$0x3FBA] =	sst s0;
	s0 =	simm.s32 @!p2 $0x0  }
0x16: {  	s3 =	sld [smem:$0x3FDB];
	s0 =	simm.s32 @p2 $0x1  }
0x17: {  	s4 =	simm.s32 $0x1BF5;
	[smem:$0x3FBC] =	sst s0  }
0x18: {  	s0 =	sld [smem:$0x3F9F];
	_ =	swait.ge [sflag:s4], $0x0  }
0x19: {  	s7 =	sld [smem:$0x3FA0]  }
0x1a: {  	s8 =	sadd.s32 $0xFFFFE003, lr  }
0x1b: {  	s9 =	sadd.s32 $0xFFFFFEF7, lr;
	s5 =	simm.s32 $0xFFFFFFFF;
	p2 =	slt.u32 s8, $0xFFFFF086  }
0x1c: {  	p1 =	slt.u32 s9, $0xF7A;
	s5 =	simm.s32 @!p2 $0x0  }
0x1d: {  	s5 =	simm.s32 @p1 $0x1;
	p0 =	seq.s32 s7, s2  }
0x1e: {  	s7 =	smul.u32 @!p0 $0xF7A, s2;
	p2 =	seq.s32 @!p0 s5, $0x0  }
0x1f: {  	s9 =	smul.u32 $0xF7A, s1;
	s8 =	simm.s32 @!p0 $0x1BF5;
	p2 =	por !p2, p0  }
0x20: {  	[sflag:s8] =	ssyncset.s32 @!p0 $0xFFFFF086;
	s6 =	sadd.s32 @!p0 s3, s7;
	s7 =	simm.s32 @!p0 $0x108  }
0x21: {  	s3 =	sadd.s32 s3, s9;
	s6 =	sadd.s32 @!p0 $0x88, s6;
	s7 =	simm.s32 @p2 $0x1082  }
0x22: {  	[simem:s7], [sflag:s8] =	dma.local @!p0 [hbm:s6], $0xF7A  }
0x23: {  	s9 =	sor.u32 $0xD0000000, s2;
	s6 =	simm.s32 $0x108;
	_ =	swait.ge @!p0 [sflag:s8], $0x0  }
0x24: {  	s3 =	sadd.s32 $0x88, s3;
	s6 =	simm.s32 @!p1 $0x1082;
	[sflag:s4] =	ssyncset.s32 $0xFFFFF086  }
0x25: {  	[simem:s6], [sflag:s4] =	dma.local [hbm:s3], $0xF7A  }
0x26: {  	[smem:$0x3FA0] =	sst s1;
	(tag) =	ssettag s2;
	_ =	strace s9  }
0x27: {  	s1 =	sld [smem:$0x3FB0]  }
0x28: {  	s2 =	sld [smem:$0x3FB1]  }
0x29: {  	s4 =	sld [smem:$0x3FB3]  }
0x2a: {  	p0 =	seq.s32 s5, $0x0;
	s5 =	sld [smem:$0x3FB4]  }
0x2b: {  	s6 =	sld [smem:$0x3FB5]  }
0x2c: {  	s7 =	sld [smem:$0x3FB6]  }
0x2d: {  	s3 =	simm.s32 $0x108;
	s8 =	sld [smem:$0x3FB7]  }
0x2e: {  	s3 =	simm.s32 @!p0 $0x1082;
	s9 =	sld [smem:$0x3FB8]  }
0x2f: {  	lr =	sadd.s32 s0, s3;
	s0 =	sld [smem:$0x3FAF]  }
0x30: {  	s3 =	sld [smem:$0x3FB2]  }
0x31: {  	[smem:$0x3FBB] =	sst s10  }
0x32: {  	s10 =	sld [smem:$0x3FB9];
	_ =	sdelay $0x3  }
0x33: {  	p0 =	seq.s32 s10, $0x1;
	s10 =	sld [smem:$0x3FBB];
	_ =	sdelay $0x3  }
0x34: {  	[smem:$0x3FBB] =	sst s10  }
0x35: {  	s10 =	sld [smem:$0x3FBA];
	_ =	sdelay $0x3  }
0x36: {  	p1 =	seq.s32 s10, $0x1;
	s10 =	sld [smem:$0x3FBB];
	_ =	sdelay $0x3  }
0x37: {  	[smem:$0x3FBB] =	sst s10  }
0x38: {  	s10 =	sld [smem:$0x3FBC]  }
0x39: {  	_ = 	snop;
	(pc) =	sbr.ind lr, $3  }
0x3a: {  	_ = 	snop  }
0x3b: {  	_ = 	snop  }
0x3c: {  	p2 =	seq.s32 s10, $0x1;
	s10 =	sld [smem:$0x3FBB]  }
0x3d: {  	_ =	shalt  }
0x3e: {  	_ =	shalt  }
0x3f: {  	_ =	shalt  }
0x40: {  	_ =	shalt  }
0x41: {  	_ =	shalt  }
0x42: {  	_ =	shalt  }
0x43: {  	_ =	shalt  }
0x44: {  	_ =	shalt  }
0x45: {  	_ =	shalt  }
0x46: {  	_ =	shalt  }
0x47: {  	_ =	shalt  }
0x48: {  	_ =	shalt  }
0x49: {  	_ =	shalt  }
0x4a: {  	_ =	shalt  }
0x4b: {  	_ =	shalt  }
0x4c: {  	_ =	shalt  }
0x4d: {  	_ =	shalt  }
0x4e: {  	_ =	shalt  }
0x4f: {  	_ =	shalt  }
0x50: {  	_ =	shalt  }
0x51: {  	_ =	shalt  }
0x52: {  	_ =	shalt  }
0x53: {  	_ =	shalt  }
0x54: {  	_ =	shalt  }
0x55: {  	_ =	shalt  }
0x56: {  	_ =	shalt  }
0x57: {  	_ =	shalt  }
0x58: {  	_ =	shalt  }
0x59: {  	_ =	shalt  }
0x5a: {  	_ =	shalt  }
0x5b: {  	_ =	shalt  }
0x5c: {  	_ =	shalt  }
0x5d: {  	_ =	shalt  }
0x5e: {  	_ =	shalt  }
0x5f: {  	_ =	shalt  }
0x60: {  	_ =	shalt  }
0x61: {  	_ =	shalt  }
0x62: {  	_ =	shalt  }
0x63: {  	_ =	shalt  }
0x64: {  	_ =	shalt  }
0x65: {  	_ =	shalt  }
0x66: {  	_ =	shalt  }
0x67: {  	_ =	shalt  }
0x68: {  	_ =	shalt  }
0x69: {  	_ =	shalt  }
0x6a: {  	_ =	shalt  }
0x6b: {  	_ =	shalt  }
0x6c: {  	_ =	shalt  }
0x6d: {  	_ =	shalt  }
0x6e: {  	_ =	shalt  }
0x6f: {  	_ =	shalt  }
0x70: {  	_ =	shalt  }
0x71: {  	_ =	shalt  }
0x72: {  	_ =	shalt  }
0x73: {  	_ =	shalt  }
0x74: {  	_ =	shalt  }
0x75: {  	_ =	shalt  }
0x76: {  	_ =	shalt  }
0x77: {  	_ =	shalt  }
0x78: {  	_ =	shalt  }
0x79: {  	_ =	shalt  }
0x7a: {  	_ =	shalt  }
0x7b: {  	_ =	shalt  }
0x7c: {  	_ =	shalt  }
0x7d: {  	_ =	shalt  }
0x7e: {  	_ =	shalt  }
0x7f: {  	_ =	shalt  }
0x80: {  	_ =	shalt  }
0x81: {  	_ =	shalt  }
0x82: {  	_ =	shalt  }
0x83: {  	_ =	shalt  }
0x84: {  	_ =	shalt  }
0x85: {  	_ =	shalt  }
0x86: {  	_ =	shalt  }
0x87: {  	_ =	shalt  }
.Lfunc_end0:
.L_simem_size_0:
called_computation_lowered:
.L_overlay_start_0:
0x88: {  	s2 =	sld [smem:$0x3FD9]  }
0x89: {  	s3 =	sld [smem:$0x3FFE];
	_ =	sdelay $0x1  }
0x8a: {  	s1 =	srdreg.scid  }
0x8b: {  	s0 =	sand.u32 $0x1, s1  }
0x8c: {  	s18 =	sshll.u32 s0, $0xA;
	s2 =	sadd.s32 s3, s2  }
0x8d: {  	s2 =	sadd.s32 s2, s18  }
0x8e: {  	[smem:$0x3FC7] =	sst s2  }
0x8f: {  	_ = 	snop  }
0x90: {  	s2 =	sld [smem:$0x3FC9]  }
0x91: {  	s19 =	sld [smem:$0x3FD0];
	(tm) =	ssettm $0x1  }
0x92: {  	s4 =	sld [smem:$0x3FFB];
	_ =	sdelay $0x3  }
0x93: {  	_ =	strace s4  }
0x94: {  	s4 =	sld [smem:$0x3FFC];
	_ =	sdelay $0x3  }
0x95: {  	_ =	strace s4  }
0x96: {  	s4 =	sld [smem:$0x3FFD];
	_ =	sdelay $0x3  }
0x97: {  	_ =	strace s4  }
0x98: {  	_ =	strace $0x8FFFFFFF  }
0x99: {  	s20 =	sld [smem:$0x3FDB];
	_ =	sdelay $0x1  }
0x9a: {  	s5 =	simm.s32 $_scs_section_size  }
0x9b: {  	s6 =	simm.s32 $_size__tile_overlayer_lowered;
	s7 =	simm.s32 $_tile_overlayer_lowered  }
0x9c: {  	s23 =	simm.s32 $0x1BFF;
	s22 =	sshll.u32 s7, $0x1;
	s4 =	sadd.s32 s5, s20  }
0x9d: {  	s8 =	simm.s32 $0x0;
	s21 =	sshll.u32 s6, $0x1;
	s6 =	sadd.s32 s22, s4  }
0x9e: {  	[timem:s8], [sflag:s23] =	dma.local [hbm:s6], s21  }
0x9f: {  	_ =	swait.ge [sflag:s23], s21  }
0xa0: {  	s5 =	ssub.s32 $0x0, s21;
	[sflag:s23] =	ssyncset.done $0x0  }
0xa1: {  	[sflag:s23] =	ssyncadd.s32 s5;
	_ =	sdelay $0x1  }
0xa2: {  	s24 =	simm.s32 $0x1B8B  }
0xa3: {  	_ =	swait.ge [sflag:s24], $0x1  }
0xa4: {  	[sflag:s24] =	ssyncset.done $0x0  }
0xa5: {  	s25 =	simm.s32 $0x1B8E;
	[sflag:s24] =	ssyncadd.s32 $0xFFFFFFFF  }
0xa6: {  	s26 =	simm.s32 $execute0_lowered;
	[smem:$0x3FD2] =	sst s25  }
0xa7: {  	s5 =	sshll.u32 s26, $0x1;
	_ =	strace $0x80000046;
	[dreg:$0x1] =	wrdreg $0xFFFFFFFF  }
0xa8: {  	s28 =	simm.s32 $_size_execute0_lowered;
	s4 =	sadd.s32 s4, s5;
	[dreg:$0x0] =	wrdreg $0x0  }
0xa9: {  	s5 =	sshll.u32 s28, $0x1;
	[dreg:$0x2] =	wrdreg s4  }
0xaa: {  	[dreg:$0x3] =	wrdreg s5  }
0xab: {  	[dreg:$0x4] =	wrdreg $0xC0  }
0xac: {  	_ =	task [dreg:s8], $0x5FFFF  }
0xad: {  	[dreg:$0x1] =	wrdreg $0xFFFFFFFF  }
0xae: {  	[dreg:$0x0] =	wrdreg $0x60  }
0xaf: {  	[dreg:$0x2] =	wrdreg s2  }
0xb0: {  	[dreg:$0x3] =	wrdreg s19  }
0xb1: {  	[dreg:$0x4] =	wrdreg $0x2B000  }
0xb2: {  	[dreg:$0x5] =	wrdreg $0x9  }
0xb3: {  	_ =	task.clear_ibuf [dreg:s8], $0x6FFFF;
	_ =	strace $0x90000046  }
0xb4: {  	s29 =	simm.s32 $0x9;
	_ =	strace $0x80000048  }
0xb5: {  	_ =	swait.ge [sflag:s29], $0x1  }
0xb6: {  	[sflag:s29] =	ssyncadd.s32 $0xFFFFFFFF  }
0xb7: {  	_ =	strace $0x90000048  }
0xb8: {  	_ =	sfence  }
0xb9: {  	s30 =	sld [smem:$0x0];
	_ =	sdelay $0x2  }
0xba: {  	s31 =	sshll.u32 s1, $0xD;
	s1 =	sshrl.u32 s1, $0x2  }
0xbb: {  	s3 =	sand.u32 $0x4000, s31;
	s1 =	sadd.s32 s1, s30  }
0xbc: {  	s0 =	sor.u32 s3, s0;
	s1 =	sshll.u32 s1, $0x11  }
0xbd: {  	s0 =	sor.u32 s1, s0  }
0xbe: {  	s0 =	sadd.s32 $0x8F2B, s0  }
0xbf: {  	[sflag:s0] =	ssyncadd.remote.s32 $0x1  }
0xc0: {  	_ =	sfence.sel $0xFFFF  }
0xc1: {  	[dreg:$0x0] =	wrdreg $0xFFFFFFFF;
	(pc) =	sbr.abs _section_cstart, $3  }
0xc2: {  	[dreg:$0x1] =	wrdreg $0xFFFFFFFF  }
0xc3: {  	_ =	task.clear_ibuf [dreg:s8], $0x2FFFF;
	_ =	strace $0x9FFFFFFF  }
0xc4: {  	(tm) =	ssettm $0x7FFFFFFF  }
0xc5: {  	_ =	shalt  }
tec
execute0_lowered:
.L_overlay_start_1:
0x0: {  	(tag) =	ssettag $0x1  }
0x1: {  	s5 =	rddreg [dreg:$0x0]  }
0x2: {  	s6 =	rddreg [dreg:$0x1]  }
0x3: {  	s1 =	srdreg.scid;
	s0 =	stileid.u32  }
0x4: {  	s2 =	rddreg [dreg:$0x2];
	s3 =	simm.s32 $0x0;
	s14 =	simm.s32 $0x20  }
0x5: {  	s15 =	simm.s32 $0x10;
	s16 =	simm.s32 $0x0;
	s7 =	smul.u32 $0xA00, s0  }
0x6: {  	s4 =	sand.u32 $0x1, s1;
	s1 =	rddreg [dreg:$0x3];
	s10 =	smul.u32 $0x2800, s0  }
0x7: {  	[smem:$0x7FF] =	sst s3;
	s12 =	smul.u32 $0x500, s0;
	s31 =	sshll.u32 s0, $0x6  }
0x8: {  	s8 =	smul.u32 $0x28000, s4;
	s9 =	ssub.s32 $0x2, s4;
	_ =	strace $0x80000047  }
0x9: {  	s4 =	sshll.u32 s4, $0x7;
	s11 =	sshrl.u32 s9, $0x1;
	s7 =	sshrl.u32 s7, $0x2  }
0xa: {  	s29 =	sor.u32 s4, s12;
	s12 =	sor.u32 $0x1C01, s31;
	s9 =	ssub.s32 s9, s11  }
0xb: {  	s8 =	sadd.s32 s10, s8;
	s4 =	sadd.s32 s7, s2;
	s30 =	sshrl.u32 s29, $0x3  }
0xc: {  	s10 =	simm.s32 $0x7D;
	s11 =	simm.s32 $0x2800;
	s8 =	sshrl.u32 s8, $0x3  }
0xd: {  	s6 =	sadd.s32 s6, s30;
	s7 =	smax.u32 s9, $0x1;
	s9 =	simm.s32 $0x1  }
0xe: {  	v0 =	vimm.f32 $1.000000000e+00;
	v1 =	vimm.f32 $0.0e+00;
	s13 =	sshrl.u32 s4, $0x3;
	s5 =	sadd.s32 s5, s8;
	s8 =	simm.s32 $0x2880  }
.LBB2_1:
0xf: {  	[tilespmem:$0x2800] =	vst v0  }
0x10: {  	[tilespmem:$0x2810] =	vst v0  }
0x11: {  	[tilespmem:$0x2820] =	vst v0  }
0x12: {  	[tilespmem:$0x2830] =	vst v0  }
0x13: {  	[tilespmem:$0x2840] =	vst v0  }
0x14: {  	[tilespmem:$0x2850] =	vst v0  }
0x15: {  	[tilespmem:$0x2860] =	vst v0  }
0x16: {  	[tilespmem:$0x2870] =	vst v0  }
0x17: {  	[tilespmem:$0x2880] =	vst v1  }
0x18: {  	[tilespmem:$0x2890] =	vst v1  }
0x19: {  	[tilespmem:$0x28A0] =	vst v1  }
0x1a: {  	[tilespmem:$0x28B0] =	vst v1  }
0x1b: {  	[tilespmem:$0x28C0] =	vst v1  }
0x1c: {  	[tilespmem:$0x28D0] =	vst v1  }
0x1d: {  	[tilespmem:$0x28E0] =	vst v1  }
0x1e: {  	[tilespmem:$0x28F0] =	vst v1  }
0x1f: {  	[tilespmem:$0x2900] =	vst v1  }
0x20: {  	[tilespmem:$0x2910] =	vst v1  }
0x21: {  	[tilespmem:$0x2920] =	vst v1  }
0x22: {  	[tilespmem:$0x2930] =	vst v1  }
0x23: {  	[tilespmem:$0x2940] =	vst v1  }
0x24: {  	[tilespmem:$0x2950] =	vst v1  }
0x25: {  	[tilespmem:$0x2960] =	vst v1  }
0x26: {  	[tilespmem:$0x2970] =	vst v1  }
0x27: {  	[tilespmem:$0x2980] =	vst v1  }
0x28: {  	[tilespmem:$0x2990] =	vst v1  }
0x29: {  	[tilespmem:$0x29A0] =	vst v1  }
0x2a: {  	[tilespmem:$0x29B0] =	vst v1  }
0x2b: {  	[tilespmem:$0x29C0] =	vst v1  }
0x2c: {  	[tilespmem:$0x29D0] =	vst v1  }
0x2d: {  	[tilespmem:$0x29E0] =	vst v1  }
0x2e: {  	[tilespmem:$0x29F0] =	vst v1  }
0x2f: {  	[tilespmem:$0x2A00] =	vst v1  }
0x30: {  	[tilespmem:$0x2A10] =	vst v1  }
0x31: {  	[tilespmem:$0x2A20] =	vst v1  }
0x32: {  	[tilespmem:$0x2A30] =	vst v1  }
0x33: {  	[tilespmem:$0x2A40] =	vst v1  }
0x34: {  	[tilespmem:$0x2A50] =	vst v1  }
0x35: {  	[tilespmem:$0x2A60] =	vst v1  }
0x36: {  	[tilespmem:$0x2A70] =	vst v1  }
0x37: {  	[tilespmem:$0x2A80] =	vst v1  }
0x38: {  	[tilespmem:$0x2A90] =	vst v1  }
0x39: {  	[tilespmem:$0x2AA0] =	vst v1  }
0x3a: {  	[tilespmem:$0x2AB0] =	vst v1  }
0x3b: {  	[tilespmem:$0x2AC0] =	vst v1  }
0x3c: {  	[tilespmem:$0x2AD0] =	vst v1  }
0x3d: {  	[tilespmem:$0x2AE0] =	vst v1  }
0x3e: {  	[tilespmem:$0x2AF0] =	vst v1  }
0x3f: {  	[spmem:s4] =	stream.linear.scatter [tilespmem:s8], [sflag:$0x1], $0x280, $0x38;
	[tilespmem:$0x2D80] =	vst v63  }
0x40: {  	_ =	swait.ge [sflag:s9], $0x280  }
0x41: {  	[sflag:s9] =	ssyncset.done $0x0  }
0x42: {  	[sflag:s9] =	ssyncadd.s32 $0xFFFFFD80  }
0x43: {  	[tilespmem:s3], [sflag:$0x1] =	stream.linear.gather [hbm4b:s5+s3], $0x2800, $0x38;
	[tilespmem:$0x2D80] =	vst v63  }
0x44: {  	_ =	swait.ge [sflag:s9], $0x2800  }
0x45: {  	[sflag:s9] =	ssyncset.done $0x0  }
0x46: {  	[sflag:s9] =	ssyncadd.s32 $0xFFFFD800  }
0x47: {  	s17 =	simm.s32 $0x0;
	[bflag:$0x0] =	sbarrier.arrive $0xFFFF  }
0x48: {  	[spmem:s2] =	stream.indirect.scatter.add.f32 [tilespmem:s11], [sflag:$0x1], $0x1, s17, s10, $0xb8;
	[tilespmem:$0x2D80] =	vst v63  }
0x49: {  	_ =	swait.ge [sflag:s9], $0x7D  }
0x4a: {  	s17 =	simm.s32 $0x200;
	[sflag:s9] =	ssyncset.done $0x0  }
.LBB2_2:
0x4b: {  	s18 =	sshra.s32 s17, $0x2;
	[sflag:s9] =	ssyncadd.s32 $0xFFFFFF83;
	p0 =	sne.s32 s17, $0x9E00  }
0x4c: {  	[spmem:s2] =	stream.indirect.scatter.add.f32 [tilespmem:s11], [sflag:$0x1], $0x1, s18, s10, $0xb8;
	[tilespmem:$0x2D80] =	vst v63  }
.Ltmp0:
0x4d: {  	_ = 	snop;
	(pc) =	sbr.rel @p0 .LBB2_2-.Ltmp0, $4  }
0x4e: {  	_ = 	snop  }
0x4f: {  	s17 =	sadd.s32 $0x200, s17  }
0x50: {  	_ =	swait.ge [sflag:s9], $0x7D  }
0x51: {  	[sflag:s9] =	ssyncset.done $0x0  }
0x52: {  	s16 =	sadd.s32 $0x1, s16  }
0x53: {  	[sflag:s9] =	ssyncadd.s32 $0xFFFFFF83;
	p0 =	sne.s32 s16, s7  }
.Ltmp1:
0x54: {  	[bflag:$0x0] =	sbarrier.arrive $0xFFFF;
	(pc) =	sbr.rel @p0 .LBB2_1-.Ltmp1, $4  }
0x55: {  	[hbm:s6@s14], [sflag:s12] =	dma.strided [spmem:s13@s15], $0x50, s9, $0x10   }
0x56: {  	_ =	swait.ge [sflag:s9], $0x50  }
0x57: {  	[sflag:s9] =	ssyncset.done $0x0  }
0x58: {  	[sflag:s9] =	ssyncadd.s32 $0xFFFFFFB0  }
0x59: {  	_ =	sfence.sel $0x180000  }
0x5a: {  	[bflag:$0x0] =	sbarrier.arrive $0xFFFF  }
0x5b: {  	p0 =	sne.s32 s0, $0x0;
	_ =	strace $0x90000047  }
0x5c: {  	s0 =	sadd.s32 @!p0 $0x100000, s1;
	[bflag:$0x2] =	sbarrier.arrive $0xFFFF  }
0x5d: {  	[sflag:s0] =	ssyncadd.tile.s32 @!p0 $0x1;
	_ =	shalt  }
.Lfunc_end2:
_tile_overlayer_lowered:
.L_overlay_start_2:
0x5e: {  	(tag) =	ssettag $0x2  }
0x5f: {  	s0 =	rddreg [dreg:$0x0];
	s2 =	stileid.u32  }
0x60: {  	s1 =	rddreg [dreg:$0x1];
	p0 =	sne.s32 s2, $0x0  }
0x61: {  	s3 =	rddreg [dreg:$0x2];
	[bflag:$0x3] =	sbarrier.arrive $0xFFFF;
	s2 =	simm.s32 @!p0 $0x1C01  }
0x62: {  	[timem:s3], [sflag:s2] =	dma.local @!p0 [hbm:s0], s1  }
0x63: {  	s0 =	simm.s32 @!p0 $0x1  }
0x64: {  	_ =	swait.ge @!p0 [sflag:s0], s1  }
0x65: {  	s1 =	ssub.s32 @!p0 $0x0, s1;
	[sflag:s0] =	ssyncset.done @!p0 $0x0  }
0x66: {  	[sflag:s0] =	ssyncadd.s32 @!p0 s1  }
0x67: {  	[bflag:$0x3] =	sbarrier.arrive $0xFFFF  }
0x68: {  	_ =	shalt  }

</sc_bundles>
